<compile_context>
chip_gen: v7x
topology: tpu7x:2x2x1
jax: 0.10.2.dev20260603
libtpu: 0.0.44.dev20260713+nightly
codegen_flags: <defaults>
</compile_context>

<pallas_src>
import functools

import jax
import jax.numpy as jnp
from jax import lax
from jax.experimental import pallas as pl
from jax.experimental.pallas import tpu as pltpu
from jax.experimental.pallas import tpu_sc as plsc

N_ROWS = 1000000
E_SIZE = 32
BATCH = 16384

NC = 2
NS = 16
L = 16
NW = NC * NS
B_PER_W = BATCH // NW

LANES_PER_W = 31232
CHUNK = 512
N_CHUNK = LANES_PER_W // CHUNK


def _scan_kernel(user_hbm, item_hbm, xtu_hbm, xti_hbm, out_hbm,
                 buf0, buf1, buf2, buf3, out_v, sem0, sem1, sem2, sem3):
    wid = lax.axis_index("s") * NC + lax.axis_index("c")
    lane0 = wid * LANES_PER_W

    bufs = [buf0, buf1, buf2, buf3]
    sems = [sem0, sem1, sem2, sem3]

    def start(t, k):
        src = xtu_hbm if k % 2 == 0 else xti_hbm
        return pltpu.async_copy(
            src.at[:, pl.ds(lane0 + t * CHUNK, CHUNK)], bufs[k], sems[k])

    def wait(k):
        pltpu.make_async_copy(
            xtu_hbm.at[:, pl.ds(lane0, CHUNK)], bufs[k], sems[k]).wait()

    start(0, 0)
    start(0, 1)
    start(1, 2)
    start(1, 3)

    def body2(u, _):
        wait(0)
        wait(1)

        @pl.when(2 * u + 2 < N_CHUNK)
        def _():
            start(2 * u + 2, 0)
            start(2 * u + 2, 1)

        wait(2)
        wait(3)

        @pl.when(2 * u + 3 < N_CHUNK)
        def _():
            start(2 * u + 3, 2)
            start(2 * u + 3, 3)

        return 0

    lax.fori_loop(0, N_CHUNK // 2, body2, 0)
    wait(0)
    wait(1)

    def out_body(j, _):
        out_v[pl.ds(j * L, L)] = (buf0[0, pl.ds(j * L, L)]
                                  + buf1[0, pl.ds(j * L, L)])
        return 0

    lax.fori_loop(0, B_PER_W // L, out_body, 0)
    base = wid * B_PER_W
    pltpu.sync_copy(out_v, out_hbm.at[pl.ds(base, B_PER_W)])


@jax.jit
def kernel(user, item, u_embed, i_embed, u_bias, i_bias):
    mesh = plsc.VectorSubcoreMesh(core_axis_name="c", subcore_axis_name="s")
    k = functools.partial(
        pl.kernel,
        out_type=jax.ShapeDtypeStruct((BATCH,), jnp.float32),
        mesh=mesh,
        scratch_types=[
            pltpu.VMEM((E_SIZE, CHUNK), jnp.float32),
            pltpu.VMEM((E_SIZE, CHUNK), jnp.float32),
            pltpu.VMEM((E_SIZE, CHUNK), jnp.float32),
            pltpu.VMEM((E_SIZE, CHUNK), jnp.float32),
            pltpu.VMEM((B_PER_W,), jnp.float32),
            pltpu.SemaphoreType.DMA,
            pltpu.SemaphoreType.DMA,
            pltpu.SemaphoreType.DMA,
            pltpu.SemaphoreType.DMA,
        ],
        compiler_params=pltpu.CompilerParams(
            needs_layout_passes=False, use_tc_tiling_on_sc=True),
    )(_scan_kernel)
    return k(user.astype(jnp.int32), item.astype(jnp.int32),
             u_embed.T, i_embed.T)

# --- scband reference (transcript-rebuilt; emitter-appended) ---
"""Pipeline reference for scband-flex-mfmodel-47158740910147 (READ-ONLY COPY).

The authoritative reference and input builder live on the scoring server;
editing this copy changes nothing except your own understanding.
"""

import jax, jax.numpy as jnp
import numpy as np

N_USERS = 1000000
N_ITEMS = 1000000
E_SIZE = 32
BATCH = 16384

def setup_inputs(seed: int = 0) -> dict:
    key = jax.random.key(seed)
    k1, k2, k3, k4, k5, k6 = jax.random.split(key, 6)
    user = jax.random.randint(k1, (BATCH,), 0, N_USERS, dtype=jnp.int64 if jax.config.jax_enable_x64 else jnp.int32)
    item = jax.random.randint(k2, (BATCH,), 0, N_ITEMS, dtype=jnp.int64 if jax.config.jax_enable_x64 else jnp.int32)
    u_embed = jax.random.normal(k3, (N_USERS, E_SIZE), dtype=jnp.float32) * 0.05
    i_embed = jax.random.normal(k4, (N_ITEMS, E_SIZE), dtype=jnp.float32) * 0.05
    u_bias = jax.random.normal(k5, (N_USERS, 1), dtype=jnp.float32) * 0.05
    i_bias = jax.random.normal(k6, (N_ITEMS, 1), dtype=jnp.float32) * 0.05
    return {"user": user, "item": item, "u_embed": u_embed, "i_embed": i_embed, "u_bias": u_bias, "i_bias": i_bias}

def reference(user, item, u_embed, i_embed, u_bias, i_bias):
    # embedding lookups (gathers)
    ub = jnp.take(u_bias, user, axis=0).reshape(user.shape)
    ib = jnp.take(i_bias, item, axis=0).reshape(item.shape)
    uvec = jnp.take(u_embed, user, axis=0)
    ivec = jnp.take(i_embed, item, axis=0)
    ips = jnp.sum(uvec * ivec, axis=-1)
    score = ub + ib + ips
    return score

if __name__ == "__main__":
    import jax
    _d = setup_inputs()
    print(jax.jit(kernel)(*tuple(_d.values())))

</pallas_src>

<mosaic_0001>
#map = affine_map<(d0, d1) -> (0)>
#map1 = affine_map<(d0, d1) -> (0, 0)>
module attributes {stable_mosaic.version = 14 : i64} {
  func.func @_scan_kernel(%arg0: i32, %arg1: i32, %arg2: memref<16384xi32, #tpu.memory_space<hbm>>, %arg3: memref<16384xi32, #tpu.memory_space<hbm>>, %arg4: memref<32x1000000xf32, #tpu.memory_space<hbm>>, %arg5: memref<32x1000000xf32, #tpu.memory_space<hbm>>, %arg6: memref<16384xf32, #tpu.memory_space<hbm>>, %arg7: memref<32x512xf32, #tpu.memory_space<vmem>>, %arg8: memref<32x512xf32, #tpu.memory_space<vmem>>, %arg9: memref<32x512xf32, #tpu.memory_space<vmem>>, %arg10: memref<32x512xf32, #tpu.memory_space<vmem>>, %arg11: memref<512xf32, #tpu.memory_space<vmem>>, %arg12: memref<!tpu.dma_semaphore, #tpu.memory_space<semaphore_mem>>, %arg13: memref<!tpu.dma_semaphore, #tpu.memory_space<semaphore_mem>>, %arg14: memref<!tpu.dma_semaphore, #tpu.memory_space<semaphore_mem>>, %arg15: memref<!tpu.dma_semaphore, #tpu.memory_space<semaphore_mem>>) attributes {dimension_semantics = [#tpu.dimension_semantics<core_parallel>, #tpu.dimension_semantics<subcore_parallel>], iteration_bounds = array<i64: 2, 16>, scalar_prefetch = 0 : i64, scratch_operands = 9 : i64, tpu.core_type = #tpu.core_type<sc_vector_subcore>, window_params = [{transform_indices = #map}, {transform_indices = #map}, {transform_indices = #map1}, {transform_indices = #map1}, {transform_indices = #map}]} {
    %mul3A = arith.constant 2 : i32
    %mul3A_0 = arith.muli %arg1, %mul3A : i32
    %add3A = arith.addi %mul3A_0, %arg0 : i32
    %mul3A_1 = arith.constant 31232 : i32
    %mul3A_2 = arith.muli %add3A, %mul3A_1 : i32
    %add3A_3 = arith.constant 0 : i32
    %add3A_4 = arith.addi %mul3A_2, %add3A_3 : i32
    %dma_start3A = arith.constant 0 : i32
    %dma_start3A_5 = tpu.memref_slice %arg4[%dma_start3A, %add3A_4] : memref<32x1000000xf32, #tpu.memory_space<hbm>> -> memref<32x512xf32, #tpu.memory_space<hbm>>
    %dma_start3A_6 = arith.constant 0 : i32
    %dma_start3A_7 = tpu.memref_slice %arg4[%dma_start3A_6, %add3A_4] : memref<32x1000000xf32, #tpu.memory_space<hbm>> -> memref<32x512xf32, #tpu.memory_space<hbm>>
    tpu.enqueue_dma source(%dma_start3A_7 : memref<32x512xf32, #tpu.memory_space<hbm>>) target(%arg7 : memref<32x512xf32, #tpu.memory_space<vmem>>) target_semaphore(%arg12 : memref<!tpu.dma_semaphore, #tpu.memory_space<semaphore_mem>>)
    %add3A_8 = arith.constant 0 : i32
    %add3A_9 = arith.addi %mul3A_2, %add3A_8 : i32
    %dma_start3A_10 = arith.constant 0 : i32
    %dma_start3A_11 = tpu.memref_slice %arg5[%dma_start3A_10, %add3A_9] : memref<32x1000000xf32, #tpu.memory_space<hbm>> -> memref<32x512xf32, #tpu.memory_space<hbm>>
    %dma_start3A_12 = arith.constant 0 : i32
    %dma_start3A_13 = tpu.memref_slice %arg5[%dma_start3A_12, %add3A_9] : memref<32x1000000xf32, #tpu.memory_space<hbm>> -> memref<32x512xf32, #tpu.memory_space<hbm>>
    tpu.enqueue_dma source(%dma_start3A_13 : memref<32x512xf32, #tpu.memory_space<hbm>>) target(%arg8 : memref<32x512xf32, #tpu.memory_space<vmem>>) target_semaphore(%arg13 : memref<!tpu.dma_semaphore, #tpu.memory_space<semaphore_mem>>)
    %add3A_14 = arith.constant 512 : i32
    %add3A_15 = arith.addi %mul3A_2, %add3A_14 : i32
    %dma_start3A_16 = arith.constant 0 : i32
    %dma_start3A_17 = tpu.memref_slice %arg4[%dma_start3A_16, %add3A_15] : memref<32x1000000xf32, #tpu.memory_space<hbm>> -> memref<32x512xf32, #tpu.memory_space<hbm>>
    %dma_start3A_18 = arith.constant 0 : i32
    %dma_start3A_19 = tpu.memref_slice %arg4[%dma_start3A_18, %add3A_15] : memref<32x1000000xf32, #tpu.memory_space<hbm>> -> memref<32x512xf32, #tpu.memory_space<hbm>>
    tpu.enqueue_dma source(%dma_start3A_19 : memref<32x512xf32, #tpu.memory_space<hbm>>) target(%arg9 : memref<32x512xf32, #tpu.memory_space<vmem>>) target_semaphore(%arg14 : memref<!tpu.dma_semaphore, #tpu.memory_space<semaphore_mem>>)
    %add3A_20 = arith.constant 512 : i32
    %add3A_21 = arith.addi %mul3A_2, %add3A_20 : i32
    %dma_start3A_22 = arith.constant 0 : i32
    %dma_start3A_23 = tpu.memref_slice %arg5[%dma_start3A_22, %add3A_21] : memref<32x1000000xf32, #tpu.memory_space<hbm>> -> memref<32x512xf32, #tpu.memory_space<hbm>>
    %dma_start3A_24 = arith.constant 0 : i32
    %dma_start3A_25 = tpu.memref_slice %arg5[%dma_start3A_24, %add3A_21] : memref<32x1000000xf32, #tpu.memory_space<hbm>> -> memref<32x512xf32, #tpu.memory_space<hbm>>
    tpu.enqueue_dma source(%dma_start3A_25 : memref<32x512xf32, #tpu.memory_space<hbm>>) target(%arg10 : memref<32x512xf32, #tpu.memory_space<vmem>>) target_semaphore(%arg15 : memref<!tpu.dma_semaphore, #tpu.memory_space<semaphore_mem>>)
    %scan3A = arith.constant 0 : i32
    %scan3A_26 = arith.constant 0 : i32
    %scan3A_27 = arith.constant 30 : i32
    %scan3A_28 = arith.addi %scan3A_26, %scan3A_27 : i32
    %scan3A_29 = arith.constant 1 : i32
    %scan3A_30 = scf.for %scan3A_48 = %scan3A_26 to %scan3A_28 step %scan3A_29 iter_args(%scan3A_49 = %scan3A) -> (i32)  : i32 {
      %dma_wait3A_50 = arith.constant 0 : i32
      %dma_wait3A_51 = tpu.memref_slice %arg4[%dma_wait3A_50, %mul3A_2] : memref<32x1000000xf32, #tpu.memory_space<hbm>> -> memref<32x512xf32, #tpu.memory_space<hbm>>
      %dma_wait3A_52 = arith.constant 0 : i32
      %dma_wait3A_53 = tpu.memref_slice %arg4[%dma_wait3A_52, %mul3A_2] : memref<32x1000000xf32, #tpu.memory_space<hbm>> -> memref<32x512xf32, #tpu.memory_space<hbm>>
      tpu.wait_dma2 semaphore(%arg12 : memref<!tpu.dma_semaphore, #tpu.memory_space<semaphore_mem>>) src(%dma_wait3A_53 : memref<32x512xf32, #tpu.memory_space<hbm>>) dst(%arg7 : memref<32x512xf32, #tpu.memory_space<vmem>>)
      %dma_wait3A_54 = arith.constant 0 : i32
      %dma_wait3A_55 = tpu.memref_slice %arg4[%dma_wait3A_54, %mul3A_2] : memref<32x1000000xf32, #tpu.memory_space<hbm>> -> memref<32x512xf32, #tpu.memory_space<hbm>>
      %dma_wait3A_56 = arith.constant 0 : i32
      %dma_wait3A_57 = tpu.memref_slice %arg4[%dma_wait3A_56, %mul3A_2] : memref<32x1000000xf32, #tpu.memory_space<hbm>> -> memref<32x512xf32, #tpu.memory_space<hbm>>
      tpu.wait_dma2 semaphore(%arg13 : memref<!tpu.dma_semaphore, #tpu.memory_space<semaphore_mem>>) src(%dma_wait3A_57 : memref<32x512xf32, #tpu.memory_space<hbm>>) dst(%arg8 : memref<32x512xf32, #tpu.memory_space<vmem>>)
      %mul3A_58 = arith.constant 2 : i32
      %mul3A_59 = arith.muli %mul3A_58, %scan3A_48 : i32
      %add3A_60 = arith.constant 2 : i32
      %add3A_61 = arith.addi %mul3A_59, %add3A_60 : i32
      %lt3A = arith.constant 61 : i32
      %lt3A_62 = arith.cmpi slt, %add3A_61, %lt3A : i32
      %convert_element_type3A = arith.extui %lt3A_62 : i1 to i32
      %cond3A = arith.constant 0 : i32
      %cond3A_63 = arith.cmpi ne, %convert_element_type3A, %cond3A : i32
      scf.if %cond3A_63 {
        %mul3A_82 = arith.constant 2 : i32
        %mul3A_83 = arith.muli %mul3A_82, %scan3A_48 : i32
        %add3A_84 = arith.constant 2 : i32
        %add3A_85 = arith.addi %mul3A_83, %add3A_84 : i32
        %mul3A_86 = arith.constant 512 : i32
        %mul3A_87 = arith.muli %add3A_85, %mul3A_86 : i32
        %add3A_88 = arith.addi %mul3A_2, %mul3A_87 : i32
        %dma_start3A_89 = arith.constant 0 : i32
        %dma_start3A_90 = tpu.memref_slice %arg4[%dma_start3A_89, %add3A_88] : memref<32x1000000xf32, #tpu.memory_space<hbm>> -> memref<32x512xf32, #tpu.memory_space<hbm>>
        %dma_start3A_91 = arith.constant 0 : i32
        %dma_start3A_92 = tpu.memref_slice %arg4[%dma_start3A_91, %add3A_88] : memref<32x1000000xf32, #tpu.memory_space<hbm>> -> memref<32x512xf32, #tpu.memory_space<hbm>>
        tpu.enqueue_dma source(%dma_start3A_92 : memref<32x512xf32, #tpu.memory_space<hbm>>) target(%arg7 : memref<32x512xf32, #tpu.memory_space<vmem>>) target_semaphore(%arg12 : memref<!tpu.dma_semaphore, #tpu.memory_space<semaphore_mem>>)
        %mul3A_93 = arith.constant 2 : i32
        %mul3A_94 = arith.muli %mul3A_93, %scan3A_48 : i32
        %add3A_95 = arith.constant 2 : i32
        %add3A_96 = arith.addi %mul3A_94, %add3A_95 : i32
        %mul3A_97 = arith.constant 512 : i32
        %mul3A_98 = arith.muli %add3A_96, %mul3A_97 : i32
        %add3A_99 = arith.addi %mul3A_2, %mul3A_98 : i32
        %dma_start3A_100 = arith.constant 0 : i32
        %dma_start3A_101 = tpu.memref_slice %arg5[%dma_start3A_100, %add3A_99] : memref<32x1000000xf32, #tpu.memory_space<hbm>> -> memref<32x512xf32, #tpu.memory_space<hbm>>
        %dma_start3A_102 = arith.constant 0 : i32
        %dma_start3A_103 = tpu.memref_slice %arg5[%dma_start3A_102, %add3A_99] : memref<32x1000000xf32, #tpu.memory_space<hbm>> -> memref<32x512xf32, #tpu.memory_space<hbm>>
        tpu.enqueue_dma source(%dma_start3A_103 : memref<32x512xf32, #tpu.memory_space<hbm>>) target(%arg8 : memref<32x512xf32, #tpu.memory_space<vmem>>) target_semaphore(%arg13 : memref<!tpu.dma_semaphore, #tpu.memory_space<semaphore_mem>>)
      } else {
      }
      %dma_wait3A_64 = arith.constant 0 : i32
      %dma_wait3A_65 = tpu.memref_slice %arg4[%dma_wait3A_64, %mul3A_2] : memref<32x1000000xf32, #tpu.memory_space<hbm>> -> memref<32x512xf32, #tpu.memory_space<hbm>>
      %dma_wait3A_66 = arith.constant 0 : i32
      %dma_wait3A_67 = tpu.memref_slice %arg4[%dma_wait3A_66, %mul3A_2] : memref<32x1000000xf32, #tpu.memory_space<hbm>> -> memref<32x512xf32, #tpu.memory_space<hbm>>
      tpu.wait_dma2 semaphore(%arg14 : memref<!tpu.dma_semaphore, #tpu.memory_space<semaphore_mem>>) src(%dma_wait3A_67 : memref<32x512xf32, #tpu.memory_space<hbm>>) dst(%arg9 : memref<32x512xf32, #tpu.memory_space<vmem>>)
      %dma_wait3A_68 = arith.constant 0 : i32
      %dma_wait3A_69 = tpu.memref_slice %arg4[%dma_wait3A_68, %mul3A_2] : memref<32x1000000xf32, #tpu.memory_space<hbm>> -> memref<32x512xf32, #tpu.memory_space<hbm>>
      %dma_wait3A_70 = arith.constant 0 : i32
      %dma_wait3A_71 = tpu.memref_slice %arg4[%dma_wait3A_70, %mul3A_2] : memref<32x1000000xf32, #tpu.memory_space<hbm>> -> memref<32x512xf32, #tpu.memory_space<hbm>>
      tpu.wait_dma2 semaphore(%arg15 : memref<!tpu.dma_semaphore, #tpu.memory_space<semaphore_mem>>) src(%dma_wait3A_71 : memref<32x512xf32, #tpu.memory_space<hbm>>) dst(%arg10 : memref<32x512xf32, #tpu.memory_space<vmem>>)
      %mul3A_72 = arith.constant 2 : i32
      %mul3A_73 = arith.muli %mul3A_72, %scan3A_48 : i32
      %add3A_74 = arith.constant 3 : i32
      %add3A_75 = arith.addi %mul3A_73, %add3A_74 : i32
      %lt3A_76 = arith.constant 61 : i32
      %lt3A_77 = arith.cmpi slt, %add3A_75, %lt3A_76 : i32
      %convert_element_type3A_78 = arith.extui %lt3A_77 : i1 to i32
      %cond3A_79 = arith.constant 0 : i32
      %cond3A_80 = arith.cmpi ne, %convert_element_type3A_78, %cond3A_79 : i32
      scf.if %cond3A_80 {
        %mul3A_82 = arith.constant 2 : i32
        %mul3A_83 = arith.muli %mul3A_82, %scan3A_48 : i32
        %add3A_84 = arith.constant 3 : i32
        %add3A_85 = arith.addi %mul3A_83, %add3A_84 : i32
        %mul3A_86 = arith.constant 512 : i32
        %mul3A_87 = arith.muli %add3A_85, %mul3A_86 : i32
        %add3A_88 = arith.addi %mul3A_2, %mul3A_87 : i32
        %dma_start3A_89 = arith.constant 0 : i32
        %dma_start3A_90 = tpu.memref_slice %arg4[%dma_start3A_89, %add3A_88] : memref<32x1000000xf32, #tpu.memory_space<hbm>> -> memref<32x512xf32, #tpu.memory_space<hbm>>
        %dma_start3A_91 = arith.constant 0 : i32
        %dma_start3A_92 = tpu.memref_slice %arg4[%dma_start3A_91, %add3A_88] : memref<32x1000000xf32, #tpu.memory_space<hbm>> -> memref<32x512xf32, #tpu.memory_space<hbm>>
        tpu.enqueue_dma source(%dma_start3A_92 : memref<32x512xf32, #tpu.memory_space<hbm>>) target(%arg9 : memref<32x512xf32, #tpu.memory_space<vmem>>) target_semaphore(%arg14 : memref<!tpu.dma_semaphore, #tpu.memory_space<semaphore_mem>>)
        %mul3A_93 = arith.constant 2 : i32
        %mul3A_94 = arith.muli %mul3A_93, %scan3A_48 : i32
        %add3A_95 = arith.constant 3 : i32
        %add3A_96 = arith.addi %mul3A_94, %add3A_95 : i32
        %mul3A_97 = arith.constant 512 : i32
        %mul3A_98 = arith.muli %add3A_96, %mul3A_97 : i32
        %add3A_99 = arith.addi %mul3A_2, %mul3A_98 : i32
        %dma_start3A_100 = arith.constant 0 : i32
        %dma_start3A_101 = tpu.memref_slice %arg5[%dma_start3A_100, %add3A_99] : memref<32x1000000xf32, #tpu.memory_space<hbm>> -> memref<32x512xf32, #tpu.memory_space<hbm>>
        %dma_start3A_102 = arith.constant 0 : i32
        %dma_start3A_103 = tpu.memref_slice %arg5[%dma_start3A_102, %add3A_99] : memref<32x1000000xf32, #tpu.memory_space<hbm>> -> memref<32x512xf32, #tpu.memory_space<hbm>>
        tpu.enqueue_dma source(%dma_start3A_103 : memref<32x512xf32, #tpu.memory_space<hbm>>) target(%arg10 : memref<32x512xf32, #tpu.memory_space<vmem>>) target_semaphore(%arg15 : memref<!tpu.dma_semaphore, #tpu.memory_space<semaphore_mem>>)
      } else {
      }
      %scan3A_81 = arith.constant 0 : i32
      scf.yield %scan3A_81 : i32
    }
    %scan3A_31 = arith.constant 30 : i32
    %dma_wait3A = arith.constant 0 : i32
    %dma_wait3A_32 = tpu.memref_slice %arg4[%dma_wait3A, %mul3A_2] : memref<32x1000000xf32, #tpu.memory_space<hbm>> -> memref<32x512xf32, #tpu.memory_space<hbm>>
    %dma_wait3A_33 = arith.constant 0 : i32
    %dma_wait3A_34 = tpu.memref_slice %arg4[%dma_wait3A_33, %mul3A_2] : memref<32x1000000xf32, #tpu.memory_space<hbm>> -> memref<32x512xf32, #tpu.memory_space<hbm>>
    tpu.wait_dma2 semaphore(%arg12 : memref<!tpu.dma_semaphore, #tpu.memory_space<semaphore_mem>>) src(%dma_wait3A_34 : memref<32x512xf32, #tpu.memory_space<hbm>>) dst(%arg7 : memref<32x512xf32, #tpu.memory_space<vmem>>)
    %dma_wait3A_35 = arith.constant 0 : i32
    %dma_wait3A_36 = tpu.memref_slice %arg4[%dma_wait3A_35, %mul3A_2] : memref<32x1000000xf32, #tpu.memory_space<hbm>> -> memref<32x512xf32, #tpu.memory_space<hbm>>
    %dma_wait3A_37 = arith.constant 0 : i32
    %dma_wait3A_38 = tpu.memref_slice %arg4[%dma_wait3A_37, %mul3A_2] : memref<32x1000000xf32, #tpu.memory_space<hbm>> -> memref<32x512xf32, #tpu.memory_space<hbm>>
    tpu.wait_dma2 semaphore(%arg13 : memref<!tpu.dma_semaphore, #tpu.memory_space<semaphore_mem>>) src(%dma_wait3A_38 : memref<32x512xf32, #tpu.memory_space<hbm>>) dst(%arg8 : memref<32x512xf32, #tpu.memory_space<vmem>>)
    %scan3A_39 = arith.constant 0 : i32
    %scan3A_40 = arith.constant 0 : i32
    %scan3A_41 = arith.constant 32 : i32
    %scan3A_42 = arith.addi %scan3A_40, %scan3A_41 : i32
    %scan3A_43 = arith.constant 1 : i32
    %scan3A_44 = scf.for %scan3A_48 = %scan3A_40 to %scan3A_42 step %scan3A_43 iter_args(%scan3A_49 = %scan3A_39) -> (i32)  : i32 {
      %mul3A_50 = arith.constant 16 : i32
      %mul3A_51 = arith.muli %scan3A_48, %mul3A_50 : i32
      %get3A = arith.constant 0 : i32
      %get3A_52 = arith.index_cast %get3A : i32 to index
      %get3A_53 = arith.index_cast %mul3A_51 : i32 to index
      %get3A_54 = tpu.vector_load %arg7[%get3A_52, %get3A_53] {strides = array<i32>} : memref<32x512xf32, #tpu.memory_space<vmem>>, vector<16xf32>,
      %mul3A_55 = arith.constant 16 : i32
      %mul3A_56 = arith.muli %scan3A_48, %mul3A_55 : i32
      %get3A_57 = arith.constant 0 : i32
      %get3A_58 = arith.index_cast %get3A_57 : i32 to index
      %get3A_59 = arith.index_cast %mul3A_56 : i32 to index
      %get3A_60 = tpu.vector_load %arg8[%get3A_58, %get3A_59] {strides = array<i32>} : memref<32x512xf32, #tpu.memory_space<vmem>>, vector<16xf32>,
      %add3A_61 = arith.addf %get3A_54, %get3A_60 : vector<16xf32>
      %mul3A_62 = arith.constant 16 : i32
      %mul3A_63 = arith.muli %scan3A_48, %mul3A_62 : i32
      %swap3A = arith.index_cast %mul3A_63 : i32 to index
      %swap3A_64 = tpu.vector_load %arg11[%swap3A] {strides = array<i32>} : memref<512xf32, #tpu.memory_space<vmem>>, vector<16xf32>,
      tpu.vector_store %arg11[%swap3A], %add3A_61 {strides = array<i32>} : memref<512xf32, #tpu.memory_space<vmem>>, vector<16xf32>,
      %scan3A_65 = arith.constant 0 : i32
      scf.yield %scan3A_65 : i32
    }
    %scan3A_45 = arith.constant 32 : i32
    %mul3A_46 = arith.constant 512 : i32
    %mul3A_47 = arith.muli %add3A, %mul3A_46 : i32
    "tpu.region"() ({
      %run_scoped3A = tpu.sem_alloc : memref<!tpu.dma_semaphore, #tpu.memory_space<semaphore_mem>>
      %dma_start3A_48 = tpu.memref_slice %arg6[%mul3A_47] : memref<16384xf32, #tpu.memory_space<hbm>> -> memref<512xf32, #tpu.memory_space<hbm>>
      %dma_start3A_49 = tpu.memref_slice %arg6[%mul3A_47] : memref<16384xf32, #tpu.memory_space<hbm>> -> memref<512xf32, #tpu.memory_space<hbm>>
      tpu.enqueue_dma source(%arg11 : memref<512xf32, #tpu.memory_space<vmem>>) target(%dma_start3A_49 : memref<512xf32, #tpu.memory_space<hbm>>) target_semaphore(%run_scoped3A : memref<!tpu.dma_semaphore, #tpu.memory_space<semaphore_mem>>)
      %dma_wait3A_50 = tpu.memref_slice %arg6[%mul3A_47] : memref<16384xf32, #tpu.memory_space<hbm>> -> memref<512xf32, #tpu.memory_space<hbm>>
      %dma_wait3A_51 = tpu.memref_slice %arg6[%mul3A_47] : memref<16384xf32, #tpu.memory_space<hbm>> -> memref<512xf32, #tpu.memory_space<hbm>>
      tpu.wait_dma2 semaphore(%run_scoped3A : memref<!tpu.dma_semaphore, #tpu.memory_space<semaphore_mem>>) src(%arg11 : memref<512xf32, #tpu.memory_space<vmem>>) dst(%dma_wait3A_51 : memref<512xf32, #tpu.memory_space<hbm>>)
      tpu.yield
    }) : () -> ()
    return
  }
}

</mosaic_0001>

<sc_bundles>
// kernel: kernel.3.cloned.1.call-start
scs
__scs_entry_jumppad:
0x0: {  	(pc) =	sbr.rel $0x88, $3  }
0x1: {  	(tag) =	ssettag $0x0;
	lr =	simm.s32 $0x1  }
0x2: {  	[smem:$0x3F9D] =	sst lr;
	_ =	strace $0xD0000000  }
0x3: {  	_ = 	snop  }
0x4: {  	_ = 	snop  }
0x5: {  	_ = 	snop  }
0x6: {  	_ = 	snop  }
0x7: {  	_ = 	snop  }
__scs_overlays_trampoline_lowered:
0x8: {  	[smem:$0x3FAC] =	sst s0  }
0x9: {  	[smem:$0x3FAD] =	sst s1  }
0xa: {  	[smem:$0x3FAE] =	sst s2  }
0xb: {  	[smem:$0x3FAF] =	sst s3  }
0xc: {  	[smem:$0x3FB0] =	sst s4  }
0xd: {  	[smem:$0x3FB1] =	sst s5  }
0xe: {  	[smem:$0x3FB2] =	sst s6  }
0xf: {  	[smem:$0x3FB3] =	sst s7  }
0x10: {  	[smem:$0x3FB4] =	sst s8  }
0x11: {  	[smem:$0x3FB5] =	sst s9;
	s0 =	simm.s32 @!p0 $0x0  }
0x12: {  	s1 =	sld [smem:$0x3F9B];
	s0 =	simm.s32 @p0 $0x1  }
0x13: {  	[smem:$0x3FB6] =	sst s0;
	s0 =	simm.s32 @!p1 $0x0  }
0x14: {  	s2 =	sld [smem:$0x3F9A];
	s0 =	simm.s32 @p1 $0x1  }
0x15: {  	[smem:$0x3FB7] =	sst s0;
	s0 =	simm.s32 @!p2 $0x0  }
0x16: {  	s3 =	sld [smem:$0x3FDB];
	s0 =	simm.s32 @p2 $0x1  }
0x17: {  	s4 =	simm.s32 $0x1BF5;
	[smem:$0x3FB9] =	sst s0  }
0x18: {  	s0 =	sld [smem:$0x3F9C];
	_ =	swait.ge [sflag:s4], $0x0  }
0x19: {  	s7 =	sld [smem:$0x3F9D]  }
0x1a: {  	s8 =	sadd.s32 $0xFFFFE003, lr  }
0x1b: {  	s9 =	sadd.s32 $0xFFFFFEF7, lr;
	s5 =	simm.s32 $0xFFFFFFFF;
	p2 =	slt.u32 s8, $0xFFFFF086  }
0x1c: {  	p1 =	slt.u32 s9, $0xF7A;
	s5 =	simm.s32 @!p2 $0x0  }
0x1d: {  	s5 =	simm.s32 @p1 $0x1;
	p0 =	seq.s32 s7, s2  }
0x1e: {  	s7 =	smul.u32 @!p0 $0xF7A, s2;
	p2 =	seq.s32 @!p0 s5, $0x0  }
0x1f: {  	s9 =	smul.u32 $0xF7A, s1;
	s8 =	simm.s32 @!p0 $0x1BF5;
	p2 =	por !p2, p0  }
0x20: {  	[sflag:s8] =	ssyncset.s32 @!p0 $0xFFFFF086;
	s6 =	sadd.s32 @!p0 s3, s7;
	s7 =	simm.s32 @!p0 $0x108  }
0x21: {  	s3 =	sadd.s32 s3, s9;
	s6 =	sadd.s32 @!p0 $0x88, s6;
	s7 =	simm.s32 @p2 $0x1082  }
0x22: {  	[simem:s7], [sflag:s8] =	dma.local @!p0 [hbm:s6], $0xF7A  }
0x23: {  	s9 =	sor.u32 $0xD0000000, s2;
	s6 =	simm.s32 $0x108;
	_ =	swait.ge @!p0 [sflag:s8], $0x0  }
0x24: {  	s3 =	sadd.s32 $0x88, s3;
	s6 =	simm.s32 @!p1 $0x1082;
	[sflag:s4] =	ssyncset.s32 $0xFFFFF086  }
0x25: {  	[simem:s6], [sflag:s4] =	dma.local [hbm:s3], $0xF7A  }
0x26: {  	[smem:$0x3F9D] =	sst s1;
	(tag) =	ssettag s2;
	_ =	strace s9  }
0x27: {  	s1 =	sld [smem:$0x3FAD]  }
0x28: {  	s2 =	sld [smem:$0x3FAE]  }
0x29: {  	s4 =	sld [smem:$0x3FB0]  }
0x2a: {  	p0 =	seq.s32 s5, $0x0;
	s5 =	sld [smem:$0x3FB1]  }
0x2b: {  	s6 =	sld [smem:$0x3FB2]  }
0x2c: {  	s7 =	sld [smem:$0x3FB3]  }
0x2d: {  	s3 =	simm.s32 $0x108;
	s8 =	sld [smem:$0x3FB4]  }
0x2e: {  	s3 =	simm.s32 @!p0 $0x1082;
	s9 =	sld [smem:$0x3FB5]  }
0x2f: {  	lr =	sadd.s32 s0, s3;
	s0 =	sld [smem:$0x3FAC]  }
0x30: {  	s3 =	sld [smem:$0x3FAF]  }
0x31: {  	[smem:$0x3FB8] =	sst s10  }
0x32: {  	s10 =	sld [smem:$0x3FB6];
	_ =	sdelay $0x3  }
0x33: {  	p0 =	seq.s32 s10, $0x1;
	s10 =	sld [smem:$0x3FB8];
	_ =	sdelay $0x3  }
0x34: {  	[smem:$0x3FB8] =	sst s10  }
0x35: {  	s10 =	sld [smem:$0x3FB7];
	_ =	sdelay $0x3  }
0x36: {  	p1 =	seq.s32 s10, $0x1;
	s10 =	sld [smem:$0x3FB8];
	_ =	sdelay $0x3  }
0x37: {  	[smem:$0x3FB8] =	sst s10  }
0x38: {  	s10 =	sld [smem:$0x3FB9]  }
0x39: {  	_ = 	snop;
	(pc) =	sbr.ind lr, $3  }
0x3a: {  	_ = 	snop  }
0x3b: {  	_ = 	snop  }
0x3c: {  	p2 =	seq.s32 s10, $0x1;
	s10 =	sld [smem:$0x3FB8]  }
0x3d: {  	_ =	shalt  }
0x3e: {  	_ =	shalt  }
0x3f: {  	_ =	shalt  }
0x40: {  	_ =	shalt  }
0x41: {  	_ =	shalt  }
0x42: {  	_ =	shalt  }
0x43: {  	_ =	shalt  }
0x44: {  	_ =	shalt  }
0x45: {  	_ =	shalt  }
0x46: {  	_ =	shalt  }
0x47: {  	_ =	shalt  }
0x48: {  	_ =	shalt  }
0x49: {  	_ =	shalt  }
0x4a: {  	_ =	shalt  }
0x4b: {  	_ =	shalt  }
0x4c: {  	_ =	shalt  }
0x4d: {  	_ =	shalt  }
0x4e: {  	_ =	shalt  }
0x4f: {  	_ =	shalt  }
0x50: {  	_ =	shalt  }
0x51: {  	_ =	shalt  }
0x52: {  	_ =	shalt  }
0x53: {  	_ =	shalt  }
0x54: {  	_ =	shalt  }
0x55: {  	_ =	shalt  }
0x56: {  	_ =	shalt  }
0x57: {  	_ =	shalt  }
0x58: {  	_ =	shalt  }
0x59: {  	_ =	shalt  }
0x5a: {  	_ =	shalt  }
0x5b: {  	_ =	shalt  }
0x5c: {  	_ =	shalt  }
0x5d: {  	_ =	shalt  }
0x5e: {  	_ =	shalt  }
0x5f: {  	_ =	shalt  }
0x60: {  	_ =	shalt  }
0x61: {  	_ =	shalt  }
0x62: {  	_ =	shalt  }
0x63: {  	_ =	shalt  }
0x64: {  	_ =	shalt  }
0x65: {  	_ =	shalt  }
0x66: {  	_ =	shalt  }
0x67: {  	_ =	shalt  }
0x68: {  	_ =	shalt  }
0x69: {  	_ =	shalt  }
0x6a: {  	_ =	shalt  }
0x6b: {  	_ =	shalt  }
0x6c: {  	_ =	shalt  }
0x6d: {  	_ =	shalt  }
0x6e: {  	_ =	shalt  }
0x6f: {  	_ =	shalt  }
0x70: {  	_ =	shalt  }
0x71: {  	_ =	shalt  }
0x72: {  	_ =	shalt  }
0x73: {  	_ =	shalt  }
0x74: {  	_ =	shalt  }
0x75: {  	_ =	shalt  }
0x76: {  	_ =	shalt  }
0x77: {  	_ =	shalt  }
0x78: {  	_ =	shalt  }
0x79: {  	_ =	shalt  }
0x7a: {  	_ =	shalt  }
0x7b: {  	_ =	shalt  }
0x7c: {  	_ =	shalt  }
0x7d: {  	_ =	shalt  }
0x7e: {  	_ =	shalt  }
0x7f: {  	_ =	shalt  }
0x80: {  	_ =	shalt  }
0x81: {  	_ =	shalt  }
0x82: {  	_ =	shalt  }
0x83: {  	_ =	shalt  }
0x84: {  	_ =	shalt  }
0x85: {  	_ =	shalt  }
0x86: {  	_ =	shalt  }
0x87: {  	_ =	shalt  }
.Lfunc_end0:
.L_simem_size_0:
called_computation_lowered:
.L_overlay_start_0:
0x88: {  	s2 =	sld [smem:$0x3FD9]  }
0x89: {  	s3 =	sld [smem:$0x3FFE];
	_ =	sdelay $0x1  }
0x8a: {  	s1 =	srdreg.scid  }
0x8b: {  	s0 =	sand.u32 $0x1, s1  }
0x8c: {  	s18 =	sshll.u32 s0, $0xA;
	s2 =	sadd.s32 s3, s2  }
0x8d: {  	s2 =	sadd.s32 s2, s18  }
0x8e: {  	[smem:$0x3FC4] =	sst s2  }
0x8f: {  	_ = 	snop  }
0x90: {  	s2 =	sld [smem:$0x3FC7]  }
0x91: {  	s19 =	sld [smem:$0x3FC6]  }
0x92: {  	s4 =	sld [smem:$0x3FD0];
	(tm) =	ssettm $0x1  }
0x93: {  	s5 =	sld [smem:$0x3FFB];
	_ =	sdelay $0x3  }
0x94: {  	_ =	strace s5  }
0x95: {  	s5 =	sld [smem:$0x3FFC];
	_ =	sdelay $0x3  }
0x96: {  	_ =	strace s5  }
0x97: {  	s5 =	sld [smem:$0x3FFD];
	_ =	sdelay $0x3  }
0x98: {  	_ =	strace s5  }
0x99: {  	_ =	strace $0x8FFFFFFF  }
0x9a: {  	s20 =	sld [smem:$0x3FDB];
	_ =	sdelay $0x1  }
0x9b: {  	s6 =	simm.s32 $_scs_section_size  }
0x9c: {  	s7 =	simm.s32 $_size__tile_overlayer_lowered;
	s8 =	simm.s32 $_tile_overlayer_lowered  }
0x9d: {  	s23 =	simm.s32 $0x1BFF;
	s22 =	sshll.u32 s8, $0x1;
	s5 =	sadd.s32 s6, s20  }
0x9e: {  	s9 =	simm.s32 $0x0;
	s21 =	sshll.u32 s7, $0x1;
	s7 =	sadd.s32 s22, s5  }
0x9f: {  	[timem:s9], [sflag:s23] =	dma.local [hbm:s7], s21  }
0xa0: {  	_ =	swait.ge [sflag:s23], s21  }
0xa1: {  	s6 =	ssub.s32 $0x0, s21;
	[sflag:s23] =	ssyncset.done $0x0  }
0xa2: {  	[sflag:s23] =	ssyncadd.s32 s6;
	_ =	sdelay $0x1  }
0xa3: {  	s24 =	simm.s32 $0x1B8B  }
0xa4: {  	_ =	swait.ge [sflag:s24], $0x1  }
0xa5: {  	[sflag:s24] =	ssyncset.done $0x0  }
0xa6: {  	s25 =	simm.s32 $0x1B8E;
	[sflag:s24] =	ssyncadd.s32 $0xFFFFFFFF  }
0xa7: {  	s26 =	simm.s32 $execute0_lowered;
	[smem:$0x3FD2] =	sst s25  }
0xa8: {  	s6 =	sshll.u32 s26, $0x1;
	_ =	strace $0x80000046;
	[dreg:$0x1] =	wrdreg $0xFFFFFFFF  }
0xa9: {  	s28 =	simm.s32 $_size_execute0_lowered;
	s5 =	sadd.s32 s5, s6;
	[dreg:$0x0] =	wrdreg $0x0  }
0xaa: {  	s6 =	sshll.u32 s28, $0x1;
	[dreg:$0x2] =	wrdreg s5  }
0xab: {  	[dreg:$0x3] =	wrdreg s6  }
0xac: {  	[dreg:$0x4] =	wrdreg $0xC0  }
0xad: {  	_ =	task [dreg:s9], $0x5FFFF  }
0xae: {  	[dreg:$0x1] =	wrdreg $0xFFFFFFFF  }
0xaf: {  	[dreg:$0x0] =	wrdreg $0x60  }
0xb0: {  	[dreg:$0x2] =	wrdreg s2  }
0xb1: {  	[dreg:$0x3] =	wrdreg s19  }
0xb2: {  	[dreg:$0x4] =	wrdreg s4  }
0xb3: {  	[dreg:$0x5] =	wrdreg $0x9  }
0xb4: {  	_ =	task.clear_ibuf [dreg:s9], $0x6FFFF;
	_ =	strace $0x90000046  }
0xb5: {  	s29 =	simm.s32 $0x9;
	_ =	strace $0x80000048  }
0xb6: {  	_ =	swait.ge [sflag:s29], $0x1  }
0xb7: {  	[sflag:s29] =	ssyncadd.s32 $0xFFFFFFFF  }
0xb8: {  	_ =	strace $0x90000048  }
0xb9: {  	_ =	sfence  }
0xba: {  	s30 =	sld [smem:$0x0];
	_ =	sdelay $0x2  }
0xbb: {  	s31 =	sshll.u32 s1, $0xD;
	s1 =	sshrl.u32 s1, $0x2  }
0xbc: {  	s3 =	sand.u32 $0x4000, s31;
	s1 =	sadd.s32 s1, s30  }
0xbd: {  	s0 =	sor.u32 s3, s0;
	s1 =	sshll.u32 s1, $0x11  }
0xbe: {  	s0 =	sor.u32 s1, s0  }
0xbf: {  	s0 =	sadd.s32 $0x8F2B, s0  }
0xc0: {  	[sflag:s0] =	ssyncadd.remote.s32 $0x1  }
0xc1: {  	_ =	sfence.sel $0xFFFF  }
0xc2: {  	[dreg:$0x0] =	wrdreg $0xFFFFFFFF;
	(pc) =	sbr.abs _section_cstart, $3  }
0xc3: {  	[dreg:$0x1] =	wrdreg $0xFFFFFFFF  }
0xc4: {  	_ =	task.clear_ibuf [dreg:s9], $0x2FFFF;
	_ =	strace $0x9FFFFFFF  }
0xc5: {  	(tm) =	ssettm $0x7FFFFFFF  }
tec
execute0_lowered:
.L_overlay_start_1:
0x0: {  	(tag) =	ssettag $0x1  }
0x1: {  	s1 =	rddreg [dreg:$0x0]  }
0x2: {  	s3 =	rddreg [dreg:$0x1];
	s2 =	srdreg.scid  }
0x3: {  	s0 =	stileid.u32;
	s9 =	rddreg [dreg:$0x2];
	s4 =	simm.s32 $0x0  }
0x4: {  	s16 =	simm.s32 $0x1000;
	s17 =	simm.s32 $0x7A1400;
	s18 =	simm.s32 $0x4000  }
0x5: {  	s19 =	simm.s32 $0x8000;
	s20 =	simm.s32 $0xC000;
	s21 =	simm.s32 $0x1  }
0x6: {  	s22 =	simm.s32 $0x2;
	s23 =	simm.s32 $0x3;
	s24 =	simm.s32 $0x4  }
0x7: {  	s25 =	simm.s32 $0x10000;
	s26 =	simm.s32 $0x5;
	s2 =	sand.u32 $0x1, s2  }
0x8: {  	s5 =	sshll.u32 s0, $0x1;
	[smem:$0x7FF] =	sst s4;
	s13 =	smul.u32 $0x7A000, s0  }
0x9: {  	s8 =	sor.u32 s2, s5;
	s29 =	ssub.s32 $0x2, s2;
	s2 =	smul.u32 $0x3D000, s2  }
0xa: {  	s28 =	simm.s32 $0x0;
	_ =	strace $0x80000047;
	s6 =	smul.u32 $0x3D000, s8  }
0xb: {  	s7 =	sshrl.u32 s29, $0x1;
	s10 =	smul.u32 $0x7A00, s8;
	s30 =	sshll.u32 s8, $0x6  }
0xc: {  	s11 =	ssub.s32 s29, s7;
	s9 =	sadd.s32 s9, s30;
	s2 =	sadd.s32 s2, s13  }
0xd: {  	s12 =	sshrl.u32 s6, $0x3;
	s5 =	sadd.s32 s1, s10;
	s6 =	sadd.s32 s3, s10  }
0xe: {  	s10 =	smax.u32 s11, $0x1;
	s13 =	sadd.s32 $0x3000, s2;
	s15 =	sadd.s32 $0x2000, s2  }
0xf: {  	s14 =	sadd.s32 $0x200, s12;
	s12 =	sadd.s32 $0x7800, s12;
	s31 =	sshrl.u32 s13, $0x3  }
0x10: {  	s7 =	sadd.s32 s1, s14;
	s8 =	sadd.s32 s3, s14;
	s11 =	sadd.s32 s1, s12  }
0x11: {  	s12 =	sadd.s32 s3, s12;
	s13 =	sadd.s32 s31, s3;
	s14 =	sadd.s32 s31, s1  }
.LBB2_1:
0x12: {  	[tilespmem:s4], [sflag:$0x1] =	stream.strided.gather [hbm4b:s5+s16], $0x4000, s17, s16, $0x38;
	[tilespmem:$0x10200] =	vst v63  }
0x13: {  	_ = 	snop  }
0x14: {  	[tilespmem:s18], [sflag:$0x2] =	stream.strided.gather [hbm4b:s6+s16], $0x4000, s17, s16, $0x38;
	[tilespmem:$0x10200] =	vst v63  }
0x15: {  	_ = 	snop  }
0x16: {  	[tilespmem:s19], [sflag:$0x3] =	stream.strided.gather [hbm4b:s7+s16], $0x4000, s17, s16, $0x38;
	[tilespmem:$0x10200] =	vst v63  }
0x17: {  	_ = 	snop  }
0x18: {  	[tilespmem:s20], [sflag:$0x4] =	stream.strided.gather [hbm4b:s8+s16], $0x4000, s17, s16, $0x38;
	[tilespmem:$0x10200] =	vst v63  }
0x19: {  	_ =	swait.ge [sflag:s21], $0x4000  }
0x1a: {  	[sflag:s21] =	ssyncset.done $0x0  }
0x1b: {  	[sflag:s21] =	ssyncadd.s32 $0xFFFFC000  }
0x1c: {  	_ =	swait.ge [sflag:s22], $0x4000  }
0x1d: {  	s2 =	sshrl.u32 s15, $0x3;
	[sflag:s22] =	ssyncset.done $0x0  }
0x1e: {  	s29 =	sadd.s32 s1, s2;
	[sflag:s22] =	ssyncadd.s32 $0xFFFFC000  }
0x1f: {  	[tilespmem:s4], [sflag:$0x1] =	stream.strided.gather [hbm4b:s29+s16], $0x4000, s17, s16, $0x38;
	[tilespmem:$0x10200] =	vst v63  }
0x20: {  	s2 =	sadd.s32 s3, s2  }
0x21: {  	[tilespmem:s18], [sflag:$0x2] =	stream.strided.gather [hbm4b:s2+s16], $0x4000, s17, s16, $0x38;
	[tilespmem:$0x10200] =	vst v63  }
0x22: {  	_ =	swait.ge [sflag:s23], $0x4000  }
0x23: {  	[sflag:s23] =	ssyncset.done $0x0  }
0x24: {  	[sflag:s23] =	ssyncadd.s32 $0xFFFFC000  }
0x25: {  	_ =	swait.ge [sflag:s24], $0x4000  }
0x26: {  	s31 =	sadd.s32 $0x0, s14;
	s30 =	sadd.s32 $0x2000, s15;
	[sflag:s24] =	ssyncset.done $0x0  }
0x27: {  	s29 =	simm.s32 $0x400;
	s2 =	sadd.s32 $0x0, s13;
	[sflag:s24] =	ssyncadd.s32 $0xFFFFC000  }
0x28: {  	[tilespmem:s19], [sflag:$0x3] =	stream.strided.gather [hbm4b:s31+s16], $0x4000, s17, s16, $0x38;
	[tilespmem:$0x10200] =	vst v63  }
.LBB2_2:
0x29: {  	[tilespmem:s20], [sflag:$0x4] =	stream.strided.gather [hbm4b:s2+s16], $0x4000, s17, s16, $0x38;
	[tilespmem:$0x10200] =	vst v63  }
0x2a: {  	s2 =	smov.u32 s29  }
0x2b: {  	p0 =	sne.s32 s29, $0x7000;
	s29 =	sadd.s32 $0x400, s29;
	_ =	swait.ge [sflag:s21], $0x4000  }
0x2c: {  	[sflag:s21] =	ssyncset.done $0x0  }
0x2d: {  	[sflag:s21] =	ssyncadd.s32 $0xFFFFC000  }
0x2e: {  	_ =	swait.ge [sflag:s22], $0x4000  }
0x2f: {  	s31 =	sshrl.u32 s30, $0x3;
	[sflag:s22] =	ssyncset.done $0x0  }
0x30: {  	s0 =	sadd.s32 s1, s31;
	[sflag:s22] =	ssyncadd.s32 $0xFFFFC000  }
0x31: {  	[tilespmem:s4], [sflag:$0x1] =	stream.strided.gather [hbm4b:s0+s16], $0x4000, s17, s16, $0x38;
	[tilespmem:$0x10200] =	vst v63  }
0x32: {  	s0 =	sadd.s32 s3, s31  }
0x33: {  	[tilespmem:s18], [sflag:$0x2] =	stream.strided.gather [hbm4b:s0+s16], $0x4000, s17, s16, $0x38;
	[tilespmem:$0x10200] =	vst v63  }
0x34: {  	_ =	swait.ge [sflag:s23], $0x4000  }
0x35: {  	[sflag:s23] =	ssyncset.done $0x0  }
0x36: {  	[sflag:s23] =	ssyncadd.s32 $0xFFFFC000  }
.Ltmp0:
0x37: {  	_ =	swait.ge [sflag:s24], $0x4000;
	(pc) =	sbr.rel @p0 .LBB2_2-.Ltmp0, $4  }
0x38: {  	[sflag:s24] =	ssyncset.done $0x0  }
0x39: {  	s0 =	sadd.s32 s2, s14;
	[sflag:s24] =	ssyncadd.s32 $0xFFFFC000  }
0x3a: {  	[tilespmem:s19], [sflag:$0x3] =	stream.strided.gather [hbm4b:s0+s16], $0x4000, s17, s16, $0x38;
	[tilespmem:$0x10200] =	vst v63  }
0x3b: {  	s30 =	sadd.s32 $0x2000, s30;
	s2 =	sadd.s32 s2, s13  }
0x3c: {  	[tilespmem:s20], [sflag:$0x4] =	stream.strided.gather [hbm4b:s2+s16], $0x4000, s17, s16, $0x38;
	[tilespmem:$0x10200] =	vst v63  }
0x3d: {  	_ =	swait.ge [sflag:s21], $0x4000  }
0x3e: {  	[sflag:s21] =	ssyncset.done $0x0  }
0x3f: {  	[sflag:s21] =	ssyncadd.s32 $0xFFFFC000  }
0x40: {  	_ =	swait.ge [sflag:s22], $0x4000  }
0x41: {  	[sflag:s22] =	ssyncset.done $0x0  }
0x42: {  	s0 =	simm.s32 $0x0;
	[sflag:s22] =	ssyncadd.s32 $0xFFFFC000  }
0x43: {  	[tilespmem:s0], [sflag:$0x1] =	stream.strided.gather [hbm4b:s11+s16], $0x4000, s17, s16, $0x38;
	[tilespmem:$0x10200] =	vst v63  }
0x44: {  	_ = 	snop  }
0x45: {  	[tilespmem:s18], [sflag:$0x2] =	stream.strided.gather [hbm4b:s12+s16], $0x4000, s17, s16, $0x38;
	[tilespmem:$0x10200] =	vst v63  }
0x46: {  	_ =	swait.ge [sflag:s23], $0x4000  }
0x47: {  	[sflag:s23] =	ssyncset.done $0x0  }
0x48: {  	[sflag:s23] =	ssyncadd.s32 $0xFFFFC000  }
0x49: {  	_ =	swait.ge [sflag:s24], $0x4000  }
0x4a: {  	[sflag:s24] =	ssyncset.done $0x0  }
0x4b: {  	[sflag:s24] =	ssyncadd.s32 $0xFFFFC000  }
0x4c: {  	_ =	swait.ge [sflag:s21], $0x4000  }
0x4d: {  	[sflag:s21] =	ssyncset.done $0x0  }
0x4e: {  	[sflag:s21] =	ssyncadd.s32 $0xFFFFC000  }
0x4f: {  	_ =	swait.ge [sflag:s22], $0x4000  }
0x50: {  	s2 =	sand.u32 $0x70, s0;
	s0 =	sand.u32 $0xC00, s0;
	[sflag:s22] =	ssyncset.done $0x0  }
0x51: {  	s0 =	sor.u32 s2, s0;
	[sflag:s22] =	ssyncadd.s32 $0xFFFFC000  }
0x52: {  	v0 =	vld [tilespmem:s0+$0x4000]  }
0x53: {  	v1 =	vld [tilespmem:s0+$0x0];
	_ =	sdelay $0x4  }
0x54: {  	s30 =	simm.s32 $0x80;
	s2 =	simm.s32 $0x10;
	v0 =	vadd.f32 v0, v1  }
0x55: {  	s29 =	simm.s32 $0x10000;
	s0 =	sand.u32 $0x70, s2;
	s2 =	sand.u32 $0xC00, s30  }
0x56: {  	s31 =	simm.s32 $0x20;
	s2 =	sor.u32 s0, s2;
	[tilespmem:s29+$0x0] =	vst v0  }
.LBB2_4:
0x57: {  	p0 =	sne.s32 s31, $0x1F0;
	v0 =	vld [tilespmem:s2+$0x4000]  }
0x58: {  	v1 =	vld [tilespmem:s2+$0x0];
	_ =	sdelay $0x2  }
.Ltmp1:
0x59: {  	(pc) =	sbr.rel @p0 .LBB2_4-.Ltmp1, $4  }
0x5a: {  	_ = 	snop  }
0x5b: {  	s30 =	sadd.s32 $0x80, s30;
	v0 =	vadd.f32 v0, v1  }
0x5c: {  	s0 =	sand.u32 $0x70, s31;
	s29 =	sadd.s32 $0x10, s29;
	s2 =	sand.u32 $0xC00, s30  }
0x5d: {  	s31 =	sadd.s32 $0x10, s31;
	s2 =	sor.u32 s0, s2;
	[tilespmem:s29+$0x0] =	vst v0  }
0x5e: {  	v0 =	vld [tilespmem:s2+$0x4000]  }
0x5f: {  	v1 =	vld [tilespmem:s2+$0x0];
	_ =	sdelay $0x4  }
0x60: {  	s28 =	sadd.s32 $0x1, s28;
	v0 =	vadd.f32 v0, v1  }
0x61: {  	s0 =	sadd.s32 $0x10, s29;
	p0 =	sne.s32 s28, s10  }
.Ltmp2:
0x62: {  	[tilespmem:s0+$0x0] =	vst v0;
	(pc) =	sbr.rel @p0 .LBB2_1-.Ltmp2, $4  }
0x63: {  	[hbm4b:s9+s4] =	stream.linear.scatter [tilespmem:s25], [sflag:$0x5], $0x200, $0x38;
	[tilespmem:$0x10200] =	vst v63  }
0x64: {  	_ =	swait.ge [sflag:s26], $0x200  }
0x65: {  	[sflag:s26] =	ssyncset.done $0x0  }
0x66: {  	[sflag:s26] =	ssyncadd.s32 $0xFFFFFE00  }
0x67: {  	_ =	sfence.sel $0x180000  }
0x68: {  	[bflag:$0x0] =	sbarrier.arrive $0xFFFF  }
0x69: {  	_ =	strace $0x90000047  }
0x6a: {  	s0 =	stileid.u32;
	[bflag:$0x2] =	sbarrier.arrive $0xFFFF  }
0x6b: {  	p0 =	sne.s32 s0, $0x0;
	s0 =	rddreg [dreg:$0x3]  }
0x6c: {  	s0 =	sadd.s32 @!p0 $0x100000, s0  }
0x6d: {  	[sflag:s0] =	ssyncadd.tile.s32 @!p0 $0x1;
	_ =	shalt  }
.Lfunc_end2:
_tile_overlayer_lowered:
.L_overlay_start_2:
0x6e: {  	(tag) =	ssettag $0x2  }
0x6f: {  	s0 =	rddreg [dreg:$0x0];
	s2 =	stileid.u32  }
0x70: {  	s1 =	rddreg [dreg:$0x1];
	p0 =	sne.s32 s2, $0x0  }
0x71: {  	s3 =	rddreg [dreg:$0x2];
	[bflag:$0x3] =	sbarrier.arrive $0xFFFF;
	s2 =	simm.s32 @!p0 $0x1C05  }
0x72: {  	[timem:s3], [sflag:s2] =	dma.local @!p0 [hbm:s0], s1  }
0x73: {  	s0 =	simm.s32 @!p0 $0x5  }
0x74: {  	_ =	swait.ge @!p0 [sflag:s0], s1  }
0x75: {  	s1 =	ssub.s32 @!p0 $0x0, s1;
	[sflag:s0] =	ssyncset.done @!p0 $0x0  }
0x76: {  	[sflag:s0] =	ssyncadd.s32 @!p0 s1  }
0x77: {  	[bflag:$0x3] =	sbarrier.arrive $0xFFFF  }
0x78: {  	_ =	shalt  }

</sc_bundles>
